<compile_context>
chip_gen: v7x
topology: tpu7x:2x2x1
jax: 0.10.2.dev20260603
libtpu: 0.0.44.dev20260713+nightly
codegen_flags: <defaults>
</compile_context>

<pallas_src>
import functools

import jax
import jax.numpy as jnp
from jax import lax
from jax.experimental import pallas as pl
from jax.experimental.pallas import tpu as pltpu
from jax.experimental.pallas import tpu_sc as plsc

_N = 100000
_D = 128
_H = 64
_NUM_MOL = 512

_NW = 16
_CHUNK = 128
_ROWS_PER_W = 49
_SLAB = _ROWS_PER_W * _CHUNK
_NCHUNK = 1
_CATOMS = _NW * _SLAB
_NPAD = _NCHUNK * _CATOMS
_BLK = 4 * _SLAB
_STEPS = _CATOMS // _BLK
_ACC = 520


def _mlp_body(x_ref, w1_ref, b1_ref, w2t_ref, ab_ref, out_ref):
    h = jnp.dot(x_ref[...], w1_ref[...], preferred_element_type=jnp.float32)
    h = h + b1_ref[...]
    h = h * jax.nn.sigmoid(h)
    v = lax.dot_general(w2t_ref[...], h, (((1,), (1,)), ((), ())),
                        preferred_element_type=jnp.float32)
    out_ref[...] = (v + ab_ref[0, 0]).reshape(1, 1, _BLK)


def _make_mlp(chunk):
    base = chunk * _STEPS
    return pl.pallas_call(
        _mlp_body,
        grid=(_STEPS,),
        in_specs=[
            pl.BlockSpec((_BLK, _D), lambda i: (i + base, 0)),
            pl.BlockSpec((_D, _H), lambda i: (0, 0)),
            pl.BlockSpec((1, _H), lambda i: (0, 0)),
            pl.BlockSpec((1, _H), lambda i: (0, 0)),
            pl.BlockSpec(memory_space=pltpu.SMEM),
        ],
        out_specs=pl.BlockSpec((1, 1, _BLK), lambda i: (i, 0, 0)),
        out_shape=jax.ShapeDtypeStruct((_STEPS, 1, _BLK), jnp.float32),
    )


_mlp_calls = [_make_mlp(c) for c in range(_NCHUNK)]


def _seg_body(vals_hbm, idx_hbm, init_hbm, out_hbm, vals_v, idx_v, acc_sh,
              sem_v, sem_i, sem_s):
    s = lax.axis_index("s")

    vcopy = pltpu.async_copy(vals_hbm.at[s], vals_v, sem_v)
    icopy = pltpu.async_copy(idx_hbm.at[s], idx_v, sem_i)

    @pl.when(s == 0)
    def _init():
        pltpu.sync_copy(init_hbm, acc_sh)

    plsc.subcore_barrier()
    vcopy.wait()
    icopy.wait()

    def _fire(j, carry):
        pltpu.async_copy(vals_v.at[j], acc_sh.at[idx_v.at[j]], sem_s,
                         add=True)
        return carry

    lax.fori_loop(0, _ROWS_PER_W, _fire, 0)
    pltpu.make_async_copy(vals_hbm.at[s], vals_v, sem_s).wait()

    plsc.subcore_barrier()

    @pl.when(s == 0)
    def _emit():
        pltpu.sync_copy(acc_sh, out_hbm)


_seg_call = functools.partial(
    pl.kernel,
    out_type=jax.ShapeDtypeStruct((_ACC,), jnp.float32),
    mesh=plsc.VectorSubcoreMesh(core_axis_name="c", subcore_axis_name="s",
                                num_cores=1),
    scratch_types=[
        pltpu.VMEM((_ROWS_PER_W, _CHUNK), jnp.float32),
        pltpu.VMEM((_ROWS_PER_W, _CHUNK), jnp.int32),
        pltpu.VMEM_SHARED((_ACC,), jnp.float32),
        pltpu.SemaphoreType.DMA,
        pltpu.SemaphoreType.DMA,
        pltpu.SemaphoreType.DMA,
    ],
)(_seg_body)


def kernel(x_scalar, x_spherical, coord, batch_index, W1, b1, W2, b2,
           node_bias, graph_bias):
    ab = (b2[0] + node_bias).reshape(1, 1).astype(jnp.float32)
    b1r = b1.reshape(1, _H)
    w2t = W2.reshape(1, _H)

    idx_pad = jnp.concatenate(
        [batch_index, jnp.full((_NPAD - _N,), _NUM_MOL, dtype=jnp.int32)]
    ).reshape(_NCHUNK, _NW, _ROWS_PER_W, _CHUNK)

    acc = jnp.full((_ACC,), graph_bias, dtype=jnp.float32)
    for c in range(_NCHUNK):
        atom = _mlp_calls[c](x_scalar, W1, b1r, w2t, ab)
        vals = atom.reshape(_NW, _ROWS_PER_W, _CHUNK)
        acc = _seg_call(vals, idx_pad[c], acc)

    res = acc[:_NUM_MOL].reshape(_NUM_MOL, 1)
    neg_grad = jnp.zeros_like(coord)
    return res, neg_grad

# --- scband reference (transcript-rebuilt; emitter-appended) ---
"""Pipeline reference for scband-neg-grad-out-13185549598887 (READ-ONLY COPY).

The authoritative reference and input builder live on the scoring server;
editing this copy changes nothing except your own understanding.
"""

import jax, jax.numpy as jnp
import numpy as np

N = 100000
D = 128
H = 64
NUM_MOL = 512

def setup_inputs(seed: int = 0) -> dict:
    key = jax.random.key(seed)
    ks = jax.random.split(key, 6)
    x_scalar = jax.random.normal(ks[0], (N, D), dtype=jnp.float32)
    x_spherical = jax.random.normal(ks[1], (N, 16), dtype=jnp.float32)
    coord = jax.random.normal(ks[2], (N, 3), dtype=jnp.float32)
    batch_index = jnp.sort(jax.random.randint(ks[3], (N,), 0, NUM_MOL, dtype=jnp.int32))
    W1 = jax.random.normal(ks[4], (D, H), dtype=jnp.float32) * 0.05
    b1 = jnp.zeros((H,), dtype=jnp.float32)
    W2 = jax.random.normal(ks[5], (H, 1), dtype=jnp.float32) * 0.05
    b2 = jnp.zeros((1,), dtype=jnp.float32)
    node_bias = jnp.float32(0.0)
    graph_bias = jnp.float32(0.0)
    return {"x_scalar": x_scalar, "x_spherical": x_spherical, "coord": coord,
            "batch_index": batch_index, "W1": W1, "b1": b1, "W2": W2, "b2": b2,
            "node_bias": node_bias, "graph_bias": graph_bias}

def reference(x_scalar, x_spherical, coord, batch_index, W1, b1, W2, b2, node_bias, graph_bias):
    # out_mlp: Linear(D->H) -> SiLU -> Linear(H->1), plus node bias
    def atom_fn(xs, crd):
        h = jax.nn.silu(xs @ W1 + b1)
        return h @ W2 + b2 + node_bias
    atom_out = atom_fn(x_scalar, coord)
    # index_add into zeros over molecules == segment_sum by batch_index
    res = jax.ops.segment_sum(atom_out, batch_index, num_segments=NUM_MOL) + graph_bias
    # grad of atom_out.sum() w.r.t. coord. In this module atom_out does not
    # depend on coord inside forward, so the gradient is identically zero
    # (matching torch with allow_unused semantics / zero grad contribution).
    grad = jax.grad(lambda c: atom_fn(x_scalar, c).sum())(coord)
    neg_grad = -grad
    return res, neg_grad

if __name__ == "__main__":
    import jax
    _d = setup_inputs()
    print(jax.jit(kernel)(*tuple(_d.values())))

</pallas_src>

<mosaic_0001>
#map = affine_map<(d0, d1) -> (0, 0, 0)>
#map1 = affine_map<(d0, d1) -> (0)>
module attributes {stable_mosaic.version = 14 : i64} {
  func.func @_seg_body(%arg0: i32, %arg1: i32, %arg2: memref<16x49x128xf32, #tpu.memory_space<hbm>>, %arg3: memref<16x49x128xi32, #tpu.memory_space<hbm>>, %arg4: memref<520xf32, #tpu.memory_space<hbm>>, %arg5: memref<520xf32, #tpu.memory_space<hbm>>, %arg6: memref<49x128xf32, #tpu.memory_space<vmem>>, %arg7: memref<49x128xi32, #tpu.memory_space<vmem>>, %arg8: memref<520xf32, #tpu.memory_space<vmem_shared>>, %arg9: memref<!tpu.dma_semaphore, #tpu.memory_space<semaphore_mem>>, %arg10: memref<!tpu.dma_semaphore, #tpu.memory_space<semaphore_mem>>, %arg11: memref<!tpu.dma_semaphore, #tpu.memory_space<semaphore_mem>>) attributes {dimension_semantics = [#tpu.dimension_semantics<core_parallel>, #tpu.dimension_semantics<subcore_parallel>], iteration_bounds = array<i64: 1, 16>, scalar_prefetch = 0 : i64, scratch_operands = 6 : i64, tpu.core_type = #tpu.core_type<sc_vector_subcore>, window_params = [{transform_indices = #map}, {transform_indices = #map}, {transform_indices = #map1}, {transform_indices = #map1}]} {
    %dma_start3A = arith.constant 0 : i32
    %dma_start3A_0 = arith.constant 0 : i32
    %dma_start3A_1 = tpu.memref_slice %arg2[%arg1, %dma_start3A, %dma_start3A_0] : memref<16x49x128xf32, #tpu.memory_space<hbm>> -> memref<1x49x128xf32, #tpu.memory_space<hbm>>
    %dma_start3A_2 = tpu.memref_squeeze %dma_start3A_1 : memref<1x49x128xf32, #tpu.memory_space<hbm>> -> memref<49x128xf32, #tpu.memory_space<hbm>>
    %dma_start3A_3 = arith.constant 0 : i32
    %dma_start3A_4 = arith.constant 0 : i32
    %dma_start3A_5 = tpu.memref_slice %arg2[%arg1, %dma_start3A_3, %dma_start3A_4] : memref<16x49x128xf32, #tpu.memory_space<hbm>> -> memref<1x49x128xf32, #tpu.memory_space<hbm>>
    %dma_start3A_6 = tpu.memref_squeeze %dma_start3A_5 : memref<1x49x128xf32, #tpu.memory_space<hbm>> -> memref<49x128xf32, #tpu.memory_space<hbm>>
    tpu.enqueue_dma source(%dma_start3A_6 : memref<49x128xf32, #tpu.memory_space<hbm>>) target(%arg6 : memref<49x128xf32, #tpu.memory_space<vmem>>) target_semaphore(%arg9 : memref<!tpu.dma_semaphore, #tpu.memory_space<semaphore_mem>>)
    %dma_start3A_7 = arith.constant 0 : i32
    %dma_start3A_8 = arith.constant 0 : i32
    %dma_start3A_9 = tpu.memref_slice %arg3[%arg1, %dma_start3A_7, %dma_start3A_8] : memref<16x49x128xi32, #tpu.memory_space<hbm>> -> memref<1x49x128xi32, #tpu.memory_space<hbm>>
    %dma_start3A_10 = tpu.memref_squeeze %dma_start3A_9 : memref<1x49x128xi32, #tpu.memory_space<hbm>> -> memref<49x128xi32, #tpu.memory_space<hbm>>
    %dma_start3A_11 = arith.constant 0 : i32
    %dma_start3A_12 = arith.constant 0 : i32
    %dma_start3A_13 = tpu.memref_slice %arg3[%arg1, %dma_start3A_11, %dma_start3A_12] : memref<16x49x128xi32, #tpu.memory_space<hbm>> -> memref<1x49x128xi32, #tpu.memory_space<hbm>>
    %dma_start3A_14 = tpu.memref_squeeze %dma_start3A_13 : memref<1x49x128xi32, #tpu.memory_space<hbm>> -> memref<49x128xi32, #tpu.memory_space<hbm>>
    tpu.enqueue_dma source(%dma_start3A_14 : memref<49x128xi32, #tpu.memory_space<hbm>>) target(%arg7 : memref<49x128xi32, #tpu.memory_space<vmem>>) target_semaphore(%arg10 : memref<!tpu.dma_semaphore, #tpu.memory_space<semaphore_mem>>)
    %eq3A = arith.constant 0 : i32
    %eq3A_15 = arith.cmpi eq, %arg1, %eq3A : i32
    %convert_element_type3A = arith.extui %eq3A_15 : i1 to i32
    %cond3A = arith.constant 0 : i32
    %cond3A_16 = arith.cmpi ne, %convert_element_type3A, %cond3A : i32
    scf.if %cond3A_16 {
      "tpu.region"() ({
        %run_scoped3A = tpu.sem_alloc : memref<!tpu.dma_semaphore, #tpu.memory_space<semaphore_mem>>
        tpu.enqueue_dma source(%arg4 : memref<520xf32, #tpu.memory_space<hbm>>) target(%arg8 : memref<520xf32, #tpu.memory_space<vmem_shared>>) target_semaphore(%run_scoped3A : memref<!tpu.dma_semaphore, #tpu.memory_space<semaphore_mem>>)
        tpu.wait_dma2 semaphore(%run_scoped3A : memref<!tpu.dma_semaphore, #tpu.memory_space<semaphore_mem>>) src(%arg4 : memref<520xf32, #tpu.memory_space<hbm>>) dst(%arg8 : memref<520xf32, #tpu.memory_space<vmem_shared>>)
        tpu.yield
      }) : () -> ()
    } else {
    }
    %barrier3A = arith.constant 0 : index
    tpu.barrier barrier_id(%barrier3A)
    %dma_wait3A = arith.constant 0 : i32
    %dma_wait3A_17 = arith.constant 0 : i32
    %dma_wait3A_18 = tpu.memref_slice %arg2[%arg1, %dma_wait3A, %dma_wait3A_17] : memref<16x49x128xf32, #tpu.memory_space<hbm>> -> memref<1x49x128xf32, #tpu.memory_space<hbm>>
    %dma_wait3A_19 = tpu.memref_squeeze %dma_wait3A_18 : memref<1x49x128xf32, #tpu.memory_space<hbm>> -> memref<49x128xf32, #tpu.memory_space<hbm>>
    %dma_wait3A_20 = arith.constant 0 : i32
    %dma_wait3A_21 = arith.constant 0 : i32
    %dma_wait3A_22 = tpu.memref_slice %arg2[%arg1, %dma_wait3A_20, %dma_wait3A_21] : memref<16x49x128xf32, #tpu.memory_space<hbm>> -> memref<1x49x128xf32, #tpu.memory_space<hbm>>
    %dma_wait3A_23 = tpu.memref_squeeze %dma_wait3A_22 : memref<1x49x128xf32, #tpu.memory_space<hbm>> -> memref<49x128xf32, #tpu.memory_space<hbm>>
    tpu.wait_dma2 semaphore(%arg9 : memref<!tpu.dma_semaphore, #tpu.memory_space<semaphore_mem>>) src(%dma_wait3A_23 : memref<49x128xf32, #tpu.memory_space<hbm>>) dst(%arg6 : memref<49x128xf32, #tpu.memory_space<vmem>>)
    %dma_wait3A_24 = arith.constant 0 : i32
    %dma_wait3A_25 = arith.constant 0 : i32
    %dma_wait3A_26 = tpu.memref_slice %arg3[%arg1, %dma_wait3A_24, %dma_wait3A_25] : memref<16x49x128xi32, #tpu.memory_space<hbm>> -> memref<1x49x128xi32, #tpu.memory_space<hbm>>
    %dma_wait3A_27 = tpu.memref_squeeze %dma_wait3A_26 : memref<1x49x128xi32, #tpu.memory_space<hbm>> -> memref<49x128xi32, #tpu.memory_space<hbm>>
    %dma_wait3A_28 = arith.constant 0 : i32
    %dma_wait3A_29 = arith.constant 0 : i32
    %dma_wait3A_30 = tpu.memref_slice %arg3[%arg1, %dma_wait3A_28, %dma_wait3A_29] : memref<16x49x128xi32, #tpu.memory_space<hbm>> -> memref<1x49x128xi32, #tpu.memory_space<hbm>>
    %dma_wait3A_31 = tpu.memref_squeeze %dma_wait3A_30 : memref<1x49x128xi32, #tpu.memory_space<hbm>> -> memref<49x128xi32, #tpu.memory_space<hbm>>
    tpu.wait_dma2 semaphore(%arg10 : memref<!tpu.dma_semaphore, #tpu.memory_space<semaphore_mem>>) src(%dma_wait3A_31 : memref<49x128xi32, #tpu.memory_space<hbm>>) dst(%arg7 : memref<49x128xi32, #tpu.memory_space<vmem>>)
    %scan3A = arith.constant 0 : i32
    %scan3A_32 = arith.constant 0 : i32
    %scan3A_33 = arith.constant 49 : i32
    %scan3A_34 = arith.addi %scan3A_32, %scan3A_33 : i32
    %scan3A_35 = arith.constant 1 : i32
    scf.for %scan3A_51 = %scan3A_32 to %scan3A_34 step %scan3A_35  : i32 {
      %dma_start3A_52 = arith.constant 0 : i32
      %dma_start3A_53 = tpu.memref_slice %arg6[%scan3A_51, %dma_start3A_52] : memref<49x128xf32, #tpu.memory_space<vmem>> -> memref<1x128xf32, #tpu.memory_space<vmem>>
      %dma_start3A_54 = tpu.memref_squeeze %dma_start3A_53 : memref<1x128xf32, #tpu.memory_space<vmem>> -> memref<128xf32, #tpu.memory_space<vmem>>
      %dma_start3A_55 = arith.constant 0 : i32
      %dma_start3A_56 = tpu.memref_slice %arg7[%scan3A_51, %dma_start3A_55] : memref<49x128xi32, #tpu.memory_space<vmem>> -> memref<1x128xi32, #tpu.memory_space<vmem>>
      %dma_start3A_57 = tpu.memref_squeeze %dma_start3A_56 : memref<1x128xi32, #tpu.memory_space<vmem>> -> memref<128xi32, #tpu.memory_space<vmem>>
      %dma_start3A_58 = arith.constant 0 : i32
      %dma_start3A_59 = tpu.memref_slice %arg8[%dma_start3A_58] : memref<520xf32, #tpu.memory_space<vmem_shared>> -> memref<520xf32, #tpu.memory_space<vmem_shared>>
      tpu.enqueue_indirect_dma source(%dma_start3A_54 : memref<128xf32, #tpu.memory_space<vmem>>) target(%dma_start3A_59 : memref<520xf32, #tpu.memory_space<vmem_shared>>) offsets(%dma_start3A_57 : memref<128xi32, #tpu.memory_space<vmem>>) semaphore(%arg11 : memref<!tpu.dma_semaphore, #tpu.memory_space<semaphore_mem>>) {add = true}
    }
    %scan3A_36 = arith.constant 49 : i32
    %dma_wait3A_37 = arith.constant 0 : i32
    %dma_wait3A_38 = arith.constant 0 : i32
    %dma_wait3A_39 = tpu.memref_slice %arg2[%arg1, %dma_wait3A_37, %dma_wait3A_38] : memref<16x49x128xf32, #tpu.memory_space<hbm>> -> memref<1x49x128xf32, #tpu.memory_space<hbm>>
    %dma_wait3A_40 = tpu.memref_squeeze %dma_wait3A_39 : memref<1x49x128xf32, #tpu.memory_space<hbm>> -> memref<49x128xf32, #tpu.memory_space<hbm>>
    %dma_wait3A_41 = arith.constant 0 : i32
    %dma_wait3A_42 = arith.constant 0 : i32
    %dma_wait3A_43 = tpu.memref_slice %arg2[%arg1, %dma_wait3A_41, %dma_wait3A_42] : memref<16x49x128xf32, #tpu.memory_space<hbm>> -> memref<1x49x128xf32, #tpu.memory_space<hbm>>
    %dma_wait3A_44 = tpu.memref_squeeze %dma_wait3A_43 : memref<1x49x128xf32, #tpu.memory_space<hbm>> -> memref<49x128xf32, #tpu.memory_space<hbm>>
    tpu.wait_dma2 semaphore(%arg11 : memref<!tpu.dma_semaphore, #tpu.memory_space<semaphore_mem>>) src(%dma_wait3A_44 : memref<49x128xf32, #tpu.memory_space<hbm>>) dst(%arg6 : memref<49x128xf32, #tpu.memory_space<vmem>>)
    %barrier3A_45 = arith.constant 0 : index
    tpu.barrier barrier_id(%barrier3A_45)
    %eq3A_46 = arith.constant 0 : i32
    %eq3A_47 = arith.cmpi eq, %arg1, %eq3A_46 : i32
    %convert_element_type3A_48 = arith.extui %eq3A_47 : i1 to i32
    %cond3A_49 = arith.constant 0 : i32
    %cond3A_50 = arith.cmpi ne, %convert_element_type3A_48, %cond3A_49 : i32
    scf.if %cond3A_50 {
      "tpu.region"() ({
        %run_scoped3A = tpu.sem_alloc : memref<!tpu.dma_semaphore, #tpu.memory_space<semaphore_mem>>
        tpu.enqueue_dma source(%arg8 : memref<520xf32, #tpu.memory_space<vmem_shared>>) target(%arg5 : memref<520xf32, #tpu.memory_space<hbm>>) target_semaphore(%run_scoped3A : memref<!tpu.dma_semaphore, #tpu.memory_space<semaphore_mem>>)
        tpu.wait_dma2 semaphore(%run_scoped3A : memref<!tpu.dma_semaphore, #tpu.memory_space<semaphore_mem>>) src(%arg8 : memref<520xf32, #tpu.memory_space<vmem_shared>>) dst(%arg5 : memref<520xf32, #tpu.memory_space<hbm>>)
        tpu.yield
      }) : () -> ()
    } else {
    }
    return
  }
}

module attributes {stable_mosaic.version = 14 : i64} {
  func.func @_mlp_body(%arg0: i32, %arg1: memref<25088x128xf32, #tpu.memory_space<vmem>>, %arg2: memref<128x64xf32, #tpu.memory_space<vmem>>, %arg3: memref<1x64xf32, #tpu.memory_space<vmem>>, %arg4: memref<1x64xf32, #tpu.memory_space<vmem>>, %arg5: memref<1x1xf32, #tpu.memory_space<smem>>, %arg6: memref<1x1x25088xf32, #tpu.memory_space<vmem>>) attributes {dimension_semantics = [#tpu.dimension_semantics<arbitrary>], iteration_bounds = array<i64: 4>, scalar_prefetch = 0 : i64, scratch_operands = 0 : i64, tpu.core_type = #tpu.core_type<tc>, window_params = [{transform_indices = @transform_0, window_bounds = array<i64: 25088, 128>}, {pipeline_mode = #tpu.pipeline_mode<synchronous>, transform_indices = @transform_1, window_bounds = array<i64: 128, 64>}, {pipeline_mode = #tpu.pipeline_mode<synchronous>, transform_indices = @transform_2, window_bounds = array<i64: 1, 64>}, {pipeline_mode = #tpu.pipeline_mode<synchronous>, transform_indices = @transform_3, window_bounds = array<i64: 1, 64>}, {transform_indices = @transform_4, window_bounds = array<i64: 1, 1>}, {transform_indices = @transform_5, window_bounds = array<i64: 1, 1, 25088>}]} {
    %get3A = arith.constant 0 : index
    %get3A_0 = arith.constant 0 : index
    %get3A_1 = vector.load %arg1[%get3A, %get3A_0] : memref<25088x128xf32, #tpu.memory_space<vmem>>, vector<25088x128xf32>
    %get3A_2 = arith.constant 0 : index
    %get3A_3 = arith.constant 0 : index
    %get3A_4 = vector.load %arg2[%get3A_2, %get3A_3] : memref<128x64xf32, #tpu.memory_space<vmem>>, vector<128x64xf32>
    %dot_general3A = arith.constant dense<0.000000e+00> : vector<25088x64xf32>
    %dot_general3A_5 = tpu.matmul %get3A_1, %get3A_4, %dot_general3A {dimension_numbers = #tpu.dot_dimension_numbers<[1], [0], [0], [1], [0, 0, 1, 1], [], []>, transpose_lhs_hint = false} : vector<25088x128xf32>, vector<128x64xf32>, vector<25088x64xf32> -> vector<25088x64xf32>
    %get3A_6 = arith.constant 0 : index
    %get3A_7 = arith.constant 0 : index
    %get3A_8 = vector.load %arg3[%get3A_6, %get3A_7] : memref<1x64xf32, #tpu.memory_space<vmem>>, vector<1x64xf32>
    %add3A = vector.broadcast %get3A_8 : vector<1x64xf32> to vector<25088x64xf32>
    %add3A_9 = arith.addf %dot_general3A_5, %add3A : vector<25088x64xf32>
    %logistic3A = arith.negf %add3A_9 : vector<25088x64xf32>
    %logistic3A_10 = math.exp %logistic3A : vector<25088x64xf32>
    %logistic3A_11 = arith.constant 1.000000e+00 : f32
    %logistic3A_12 = vector.broadcast %logistic3A_11 : f32 to vector<25088x64xf32>
    %logistic3A_13 = arith.addf %logistic3A_12, %logistic3A_10 : vector<25088x64xf32>
    %logistic3A_14 = arith.divf %logistic3A_12, %logistic3A_13 : vector<25088x64xf32>
    %mul3A = arith.mulf %add3A_9, %logistic3A_14 : vector<25088x64xf32>
    %get3A_15 = arith.constant 0 : index
    %get3A_16 = arith.constant 0 : index
    %get3A_17 = vector.load %arg4[%get3A_15, %get3A_16] : memref<1x64xf32, #tpu.memory_space<vmem>>, vector<1x64xf32>
    %dot_general3A_18 = arith.constant dense<0.000000e+00> : vector<1x25088xf32>
    %dot_general3A_19 = tpu.matmul %get3A_17, %mul3A, %dot_general3A_18 {dimension_numbers = #tpu.dot_dimension_numbers<[1], [1], [0], [0], [0, 0, 1, 0], [], []>, transpose_lhs_hint = false} : vector<1x64xf32>, vector<25088x64xf32>, vector<1x25088xf32> -> vector<1x25088xf32>
    %get3A_20 = arith.constant 0 : index
    %get3A_21 = arith.constant 0 : index
    %get3A_22 = memref.load %arg5[%get3A_20, %get3A_21] : memref<1x1xf32, #tpu.memory_space<smem>>
    %add3A_23 = vector.broadcast %get3A_22 : f32 to vector<1x25088xf32>
    %add3A_24 = arith.addf %dot_general3A_19, %add3A_23 : vector<1x25088xf32>
    %reshape3A = vector.shape_cast %add3A_24 : vector<1x25088xf32> to vector<1x1x25088xf32>
    %swap3A = arith.constant 0 : index
    %swap3A_25 = arith.constant 0 : index
    %swap3A_26 = arith.constant 0 : index
    %swap3A_27 = vector.load %arg6[%swap3A, %swap3A_25, %swap3A_26] : memref<1x1x25088xf32, #tpu.memory_space<vmem>>, vector<1x1x25088xf32>
    tpu.vector_store %arg6[%swap3A, %swap3A_25, %swap3A_26], %reshape3A {strides = array<i32>} : memref<1x1x25088xf32, #tpu.memory_space<vmem>>, vector<1x1x25088xf32>,
    return
  }
  func.func @transform_0(%arg0: i32) -> (i32, i32) {
    %add3A = arith.constant 0 : i32
    %add3A_0 = arith.addi %arg0, %add3A : i32
    %c0_i32 = arith.constant 0 : i32
    %c0_i32_1 = arith.constant 0 : i32
    return %add3A_0, %c0_i32 : i32, i32
  }
  func.func @transform_1(%arg0: i32) -> (i32, i32) {
    %c0_i32 = arith.constant 0 : i32
    %c0_i32_0 = arith.constant 0 : i32
    %c0_i32_1 = arith.constant 0 : i32
    return %c0_i32, %c0_i32_0 : i32, i32
  }
  func.func @transform_2(%arg0: i32) -> (i32, i32) {
    %c0_i32 = arith.constant 0 : i32
    %c0_i32_0 = arith.constant 0 : i32
    %c0_i32_1 = arith.constant 0 : i32
    return %c0_i32, %c0_i32_0 : i32, i32
  }
  func.func @transform_3(%arg0: i32) -> (i32, i32) {
    %c0_i32 = arith.constant 0 : i32
    %c0_i32_0 = arith.constant 0 : i32
    %c0_i32_1 = arith.constant 0 : i32
    return %c0_i32, %c0_i32_0 : i32, i32
  }
  func.func @transform_4(%arg0: i32) -> (i32, i32) {
    %c0_i32 = arith.constant 0 : i32
    %c0_i32_0 = arith.constant 0 : i32
    %c0_i32_1 = arith.constant 0 : i32
    return %c0_i32, %c0_i32_0 : i32, i32
  }
  func.func @transform_5(%arg0: i32) -> (i32, i32, i32) {
    %c0_i32 = arith.constant 0 : i32
    %c0_i32_0 = arith.constant 0 : i32
    %c0_i32_1 = arith.constant 0 : i32
    return %arg0, %c0_i32, %c0_i32_0 : i32, i32, i32
  }
}

</mosaic_0001>

<sc_bundles>
// kernel: kernel.4.cloned.1.call-start
scs
__scs_entry_jumppad:
0x0: {  	(pc) =	sbr.rel $0x88, $3  }
0x1: {  	(tag) =	ssettag $0x0;
	lr =	simm.s32 $0x1  }
0x2: {  	[smem:$0x3F99] =	sst lr;
	_ =	strace $0xD0000000  }
0x3: {  	_ = 	snop  }
0x4: {  	_ = 	snop  }
0x5: {  	_ = 	snop  }
0x6: {  	_ = 	snop  }
0x7: {  	_ = 	snop  }
__scs_overlays_trampoline_lowered:
0x8: {  	[smem:$0x3FA8] =	sst s0  }
0x9: {  	[smem:$0x3FA9] =	sst s1  }
0xa: {  	[smem:$0x3FAA] =	sst s2  }
0xb: {  	[smem:$0x3FAB] =	sst s3  }
0xc: {  	[smem:$0x3FAC] =	sst s4  }
0xd: {  	[smem:$0x3FAD] =	sst s5  }
0xe: {  	[smem:$0x3FAE] =	sst s6  }
0xf: {  	[smem:$0x3FAF] =	sst s7  }
0x10: {  	[smem:$0x3FB0] =	sst s8  }
0x11: {  	[smem:$0x3FB1] =	sst s9;
	s0 =	simm.s32 @!p0 $0x0  }
0x12: {  	s1 =	sld [smem:$0x3F97];
	s0 =	simm.s32 @p0 $0x1  }
0x13: {  	[smem:$0x3FB2] =	sst s0;
	s0 =	simm.s32 @!p1 $0x0  }
0x14: {  	s2 =	sld [smem:$0x3F96];
	s0 =	simm.s32 @p1 $0x1  }
0x15: {  	[smem:$0x3FB3] =	sst s0;
	s0 =	simm.s32 @!p2 $0x0  }
0x16: {  	s3 =	sld [smem:$0x3FDB];
	s0 =	simm.s32 @p2 $0x1  }
0x17: {  	s4 =	simm.s32 $0x1BF5;
	[smem:$0x3FB5] =	sst s0  }
0x18: {  	s0 =	sld [smem:$0x3F98];
	_ =	swait.ge [sflag:s4], $0x0  }
0x19: {  	s7 =	sld [smem:$0x3F99]  }
0x1a: {  	s8 =	sadd.s32 $0xFFFFE003, lr  }
0x1b: {  	s9 =	sadd.s32 $0xFFFFFEF7, lr;
	s5 =	simm.s32 $0xFFFFFFFF;
	p2 =	slt.u32 s8, $0xFFFFF086  }
0x1c: {  	p1 =	slt.u32 s9, $0xF7A;
	s5 =	simm.s32 @!p2 $0x0  }
0x1d: {  	s5 =	simm.s32 @p1 $0x1;
	p0 =	seq.s32 s7, s2  }
0x1e: {  	s7 =	smul.u32 @!p0 $0xF7A, s2;
	p2 =	seq.s32 @!p0 s5, $0x0  }
0x1f: {  	s9 =	smul.u32 $0xF7A, s1;
	s8 =	simm.s32 @!p0 $0x1BF5;
	p2 =	por !p2, p0  }
0x20: {  	[sflag:s8] =	ssyncset.s32 @!p0 $0xFFFFF086;
	s6 =	sadd.s32 @!p0 s3, s7;
	s7 =	simm.s32 @!p0 $0x108  }
0x21: {  	s3 =	sadd.s32 s3, s9;
	s6 =	sadd.s32 @!p0 $0x88, s6;
	s7 =	simm.s32 @p2 $0x1082  }
0x22: {  	[simem:s7], [sflag:s8] =	dma.local @!p0 [hbm:s6], $0xF7A  }
0x23: {  	s9 =	sor.u32 $0xD0000000, s2;
	s6 =	simm.s32 $0x108;
	_ =	swait.ge @!p0 [sflag:s8], $0x0  }
0x24: {  	s3 =	sadd.s32 $0x88, s3;
	s6 =	simm.s32 @!p1 $0x1082;
	[sflag:s4] =	ssyncset.s32 $0xFFFFF086  }
0x25: {  	[simem:s6], [sflag:s4] =	dma.local [hbm:s3], $0xF7A  }
0x26: {  	[smem:$0x3F99] =	sst s1;
	(tag) =	ssettag s2;
	_ =	strace s9  }
0x27: {  	s1 =	sld [smem:$0x3FA9]  }
0x28: {  	s2 =	sld [smem:$0x3FAA]  }
0x29: {  	s4 =	sld [smem:$0x3FAC]  }
0x2a: {  	p0 =	seq.s32 s5, $0x0;
	s5 =	sld [smem:$0x3FAD]  }
0x2b: {  	s6 =	sld [smem:$0x3FAE]  }
0x2c: {  	s7 =	sld [smem:$0x3FAF]  }
0x2d: {  	s3 =	simm.s32 $0x108;
	s8 =	sld [smem:$0x3FB0]  }
0x2e: {  	s3 =	simm.s32 @!p0 $0x1082;
	s9 =	sld [smem:$0x3FB1]  }
0x2f: {  	lr =	sadd.s32 s0, s3;
	s0 =	sld [smem:$0x3FA8]  }
0x30: {  	s3 =	sld [smem:$0x3FAB]  }
0x31: {  	[smem:$0x3FB4] =	sst s10  }
0x32: {  	s10 =	sld [smem:$0x3FB2];
	_ =	sdelay $0x3  }
0x33: {  	p0 =	seq.s32 s10, $0x1;
	s10 =	sld [smem:$0x3FB4];
	_ =	sdelay $0x3  }
0x34: {  	[smem:$0x3FB4] =	sst s10  }
0x35: {  	s10 =	sld [smem:$0x3FB3];
	_ =	sdelay $0x3  }
0x36: {  	p1 =	seq.s32 s10, $0x1;
	s10 =	sld [smem:$0x3FB4];
	_ =	sdelay $0x3  }
0x37: {  	[smem:$0x3FB4] =	sst s10  }
0x38: {  	s10 =	sld [smem:$0x3FB5]  }
0x39: {  	_ = 	snop;
	(pc) =	sbr.ind lr, $3  }
0x3a: {  	_ = 	snop  }
0x3b: {  	_ = 	snop  }
0x3c: {  	p2 =	seq.s32 s10, $0x1;
	s10 =	sld [smem:$0x3FB4]  }
0x3d: {  	_ =	shalt  }
0x3e: {  	_ =	shalt  }
0x3f: {  	_ =	shalt  }
0x40: {  	_ =	shalt  }
0x41: {  	_ =	shalt  }
0x42: {  	_ =	shalt  }
0x43: {  	_ =	shalt  }
0x44: {  	_ =	shalt  }
0x45: {  	_ =	shalt  }
0x46: {  	_ =	shalt  }
0x47: {  	_ =	shalt  }
0x48: {  	_ =	shalt  }
0x49: {  	_ =	shalt  }
0x4a: {  	_ =	shalt  }
0x4b: {  	_ =	shalt  }
0x4c: {  	_ =	shalt  }
0x4d: {  	_ =	shalt  }
0x4e: {  	_ =	shalt  }
0x4f: {  	_ =	shalt  }
0x50: {  	_ =	shalt  }
0x51: {  	_ =	shalt  }
0x52: {  	_ =	shalt  }
0x53: {  	_ =	shalt  }
0x54: {  	_ =	shalt  }
0x55: {  	_ =	shalt  }
0x56: {  	_ =	shalt  }
0x57: {  	_ =	shalt  }
0x58: {  	_ =	shalt  }
0x59: {  	_ =	shalt  }
0x5a: {  	_ =	shalt  }
0x5b: {  	_ =	shalt  }
0x5c: {  	_ =	shalt  }
0x5d: {  	_ =	shalt  }
0x5e: {  	_ =	shalt  }
0x5f: {  	_ =	shalt  }
0x60: {  	_ =	shalt  }
0x61: {  	_ =	shalt  }
0x62: {  	_ =	shalt  }
0x63: {  	_ =	shalt  }
0x64: {  	_ =	shalt  }
0x65: {  	_ =	shalt  }
0x66: {  	_ =	shalt  }
0x67: {  	_ =	shalt  }
0x68: {  	_ =	shalt  }
0x69: {  	_ =	shalt  }
0x6a: {  	_ =	shalt  }
0x6b: {  	_ =	shalt  }
0x6c: {  	_ =	shalt  }
0x6d: {  	_ =	shalt  }
0x6e: {  	_ =	shalt  }
0x6f: {  	_ =	shalt  }
0x70: {  	_ =	shalt  }
0x71: {  	_ =	shalt  }
0x72: {  	_ =	shalt  }
0x73: {  	_ =	shalt  }
0x74: {  	_ =	shalt  }
0x75: {  	_ =	shalt  }
0x76: {  	_ =	shalt  }
0x77: {  	_ =	shalt  }
0x78: {  	_ =	shalt  }
0x79: {  	_ =	shalt  }
0x7a: {  	_ =	shalt  }
0x7b: {  	_ =	shalt  }
0x7c: {  	_ =	shalt  }
0x7d: {  	_ =	shalt  }
0x7e: {  	_ =	shalt  }
0x7f: {  	_ =	shalt  }
0x80: {  	_ =	shalt  }
0x81: {  	_ =	shalt  }
0x82: {  	_ =	shalt  }
0x83: {  	_ =	shalt  }
0x84: {  	_ =	shalt  }
0x85: {  	_ =	shalt  }
0x86: {  	_ =	shalt  }
0x87: {  	_ =	shalt  }
.Lfunc_end0:
.L_simem_size_0:
called_computation_lowered:
.L_overlay_start_0:
0x88: {  	s0 =	sld [smem:$0x3FD9]  }
0x89: {  	s1 =	sld [smem:$0x3FFE];
	_ =	sdelay $0x3  }
0x8a: {  	s0 =	sadd.s32 s1, s0  }
0x8b: {  	[smem:$0x3FC0] =	sst s0  }
0x8c: {  	_ = 	snop  }
0x8d: {  	s0 =	sld [smem:$0x3FD0];
	_ =	sdelay $0x2  }
0x8e: {  	s13 =	simm.s32 $0xA;
	s2 =	simm.s32 $0x10  }
0x8f: {  	[smem:s2], [sflag:s13] =	dma.local [hbm:s0], $0x1  }
0x90: {  	_ =	swait.eq [sflag:s13], $0x1  }
0x91: {  	[sflag:s13] =	ssyncset.done $0x0  }
0x92: {  	[sflag:s13] =	ssyncadd.s32 $0xFFFFFFFF  }
0x93: {  	s14 =	sld [smem:$0x11];
	(tm) =	ssettm $0x1  }
0x94: {  	s15 =	sld [smem:$0x3FFB];
	_ =	sdelay $0x3  }
0x95: {  	_ =	strace s15  }
0x96: {  	s1 =	sld [smem:$0x3FFC];
	_ =	sdelay $0x3  }
0x97: {  	_ =	strace s1  }
0x98: {  	s1 =	sld [smem:$0x3FFD];
	_ =	sdelay $0x3  }
0x99: {  	_ =	strace s1  }
0x9a: {  	_ =	strace $0x8FFFFFFF  }
0x9b: {  	s16 =	sld [smem:$0x3FDB];
	_ =	sdelay $0x1  }
0x9c: {  	s17 =	simm.s32 $_scs_section_size  }
0x9d: {  	s3 =	simm.s32 $_size__tile_overlayer_lowered;
	s4 =	simm.s32 $_tile_overlayer_lowered  }
0x9e: {  	s20 =	simm.s32 $0x1BFF;
	s19 =	sshll.u32 s4, $0x1;
	s1 =	sadd.s32 s17, s16  }
0x9f: {  	s5 =	simm.s32 $0x0;
	s18 =	sshll.u32 s3, $0x1;
	s3 =	sadd.s32 s19, s1  }
0xa0: {  	[timem:s5], [sflag:s20] =	dma.local [hbm:s3], s18  }
0xa1: {  	_ =	swait.ge [sflag:s20], s18  }
0xa2: {  	s2 =	ssub.s32 $0x0, s18;
	[sflag:s20] =	ssyncset.done $0x0  }
0xa3: {  	[sflag:s20] =	ssyncadd.s32 s2;
	_ =	sdelay $0x1  }
0xa4: {  	s21 =	simm.s32 $0x1B8B  }
0xa5: {  	_ =	swait.ge [sflag:s21], $0x1  }
0xa6: {  	[sflag:s21] =	ssyncset.done $0x0  }
0xa7: {  	s23 =	simm.s32 $0x1B8E;
	s22 =	sld [smem:$0x3FFE];
	[sflag:s21] =	ssyncadd.s32 $0xFFFFFFFF  }
0xa8: {  	s24 =	simm.s32 $execute0_lowered;
	[smem:$0x3FD2] =	sst s23  }
0xa9: {  	s3 =	sshll.u32 s24, $0x1;
	_ =	strace $0x80000046;
	[dreg:$0x1] =	wrdreg $0xFFFFFFFF  }
0xaa: {  	s25 =	simm.s32 $_size_execute0_lowered;
	s1 =	sadd.s32 s1, s3;
	[dreg:$0x0] =	wrdreg $0x0  }
0xab: {  	s3 =	sshll.u32 s25, $0x1;
	[dreg:$0x2] =	wrdreg s1  }
0xac: {  	[dreg:$0x3] =	wrdreg s3  }
0xad: {  	[dreg:$0x4] =	wrdreg $0xC0  }
0xae: {  	_ =	task [dreg:s5], $0x5FFFF  }
0xaf: {  	[dreg:$0x1] =	wrdreg $0xFFFFFFFF  }
0xb0: {  	[dreg:$0x0] =	wrdreg $0x60  }
0xb1: {  	[dreg:$0x2] =	wrdreg s14  }
0xb2: {  	[dreg:$0x3] =	wrdreg s22  }
0xb3: {  	[dreg:$0x4] =	wrdreg $0x38000  }
0xb4: {  	[dreg:$0x5] =	wrdreg $0x9  }
0xb5: {  	_ =	task.clear_ibuf [dreg:s5], $0x6FFFF;
	_ =	strace $0x90000046  }
0xb6: {  	s26 =	simm.s32 $0x9;
	_ =	strace $0x80000048  }
0xb7: {  	_ =	swait.ge [sflag:s26], $0x1  }
0xb8: {  	[sflag:s26] =	ssyncadd.s32 $0xFFFFFFFF  }
0xb9: {  	_ =	strace $0x90000048  }
0xba: {  	_ =	sfence  }
0xbb: {  	s28 =	sld [smem:$0x0];
	_ =	sdelay $0x1  }
0xbc: {  	s29 =	srdreg.scid  }
0xbd: {  	s30 =	sshll.u32 s29, $0xD;
	s31 =	sshrl.u32 s29, $0x2  }
0xbe: {  	s2 =	sand.u32 $0x4000, s30;
	s1 =	sand.u32 $0x1, s29;
	s0 =	sadd.s32 s31, s28  }
0xbf: {  	s1 =	sor.u32 s2, s1;
	s0 =	sshll.u32 s0, $0x11  }
0xc0: {  	s0 =	sor.u32 s0, s1  }
0xc1: {  	s0 =	sadd.s32 $0x8F2B, s0  }
0xc2: {  	[sflag:s0] =	ssyncadd.remote.s32 $0x1  }
0xc3: {  	_ =	sfence.sel $0xFFFF  }
0xc4: {  	[dreg:$0x0] =	wrdreg $0xFFFFFFFF;
	(pc) =	sbr.abs _section_cstart, $3  }
0xc5: {  	[dreg:$0x1] =	wrdreg $0xFFFFFFFF  }
0xc6: {  	_ =	task.clear_ibuf [dreg:s5], $0x2FFFF;
	_ =	strace $0x9FFFFFFF  }
0xc7: {  	(tm) =	ssettm $0x7FFFFFFF  }
tec
execute0_lowered:
.L_overlay_start_1:
0x0: {  	(tag) =	ssettag $0x1  }
0x1: {  	s2 =	rddreg [dreg:$0x0]  }
0x2: {  	s3 =	rddreg [dreg:$0x1]  }
0x3: {  	s1 =	rddreg [dreg:$0x2];
	s4 =	stileid.u32  }
0x4: {  	s0 =	rddreg [dreg:$0x3];
	s5 =	simm.s32 $0x0;
	s6 =	smul.u32 $0x380, s4  }
0x5: {  	[smem:$0x7FF] =	sst s5  }
0x6: {  	_ =	strace $0x80000047;
	s7 =	sadd.s32 s6, s3;
	s2 =	sadd.s32 s2, s6  }
0x7: {  	[tilespmem:s5], [sflag:$0x1] =	stream.linear.gather [hbm4b:s2+s5], $0x1880, $0x38;
	[tilespmem:$0x3828] =	vst v63  }
0x8: {  	s29 =	simm.s32 $0x1C00;
	p0 =	sne.s32 s4, $0x0;
	s28 =	sadd.s32 $0x600, s7  }
0x9: {  	[tilespmem:s29], [sflag:$0x2] =	stream.linear.gather [hbm4b:s28+s5], $0x1880, $0x38;
	[tilespmem:$0x3828] =	vst v63  }
0xa: {  	s4 =	sadd.s32 $0x3E00, s3;
	s2 =	sshrl.u32 @!p0 s1, $0x3;
	s5 =	simm.s32 @!p0 $0x1C04  }
0xb: {  	[spmem:s2], [sflag:s5] =	dma.local @!p0 [hbm:s4], $0x50  }
0xc: {  	s4 =	simm.s32 @!p0 $0x4  }
0xd: {  	_ =	swait.ge @!p0 [sflag:s4], $0x50  }
0xe: {  	[sflag:s4] =	ssyncset.done @!p0 $0x0  }
0xf: {  	[sflag:s4] =	ssyncadd.s32 @!p0 $0xFFFFFFB0  }
0x10: {  	s30 =	simm.s32 $0x1;
	[bflag:$0x0] =	sbarrier.arrive $0xFFFF  }
0x11: {  	_ =	swait.ge [sflag:s30], $0x1880  }
0x12: {  	[sflag:s30] =	ssyncset.done $0x0  }
0x13: {  	s31 =	simm.s32 $0x2;
	[sflag:s30] =	ssyncadd.s32 $0xFFFFE780  }
0x14: {  	s3 =	sadd.s32 $0x4000, s3;
	_ =	swait.ge [sflag:s31], $0x1880  }
0x15: {  	s6 =	simm.s32 $0x0;
	s7 =	simm.s32 $0x1C00;
	[sflag:s31] =	ssyncset.done $0x0  }
0x16: {  	s5 =	simm.s32 $0x200;
	s4 =	simm.s32 $0x80;
	[sflag:s31] =	ssyncadd.s32 $0xFFFFE780  }
.LBB2_1:
0x17: {  	[spmem:s1] =	stream.indirect.scatter.add.f32 [tilespmem:s6], [sflag:$0x3], $0x1, s7, s4, $0xb8;
	[tilespmem:$0x3828] =	vst v63  }
0x18: {  	s6 =	smov.u32 s5;
	p1 =	sne.s32 s5, $0x6000  }
.Ltmp0:
0x19: {  	s5 =	sadd.s32 $0x200, s5;
	(pc) =	sbr.rel @p1 .LBB2_1-.Ltmp0, $3  }
0x1a: {  	_ =	sdelay $0x1  }
0x1b: {  	s6 =	sshra.s32 s6, $0x2  }
0x1c: {  	s7 =	sadd.s32 $0x1C00, s6  }
0x1d: {  	[spmem:s1] =	stream.indirect.scatter.add.f32 [tilespmem:s6], [sflag:$0x3], $0x1, s7, s4, $0xb8;
	[tilespmem:$0x3828] =	vst v63  }
0x1e: {  	s31 =	simm.s32 $0x3  }
0x1f: {  	_ =	swait.ge [sflag:s31], $0x1880  }
0x20: {  	[sflag:s31] =	ssyncset.done $0x0  }
0x21: {  	[sflag:s31] =	ssyncadd.s32 $0xFFFFE780  }
0x22: {  	[bflag:$0x0] =	sbarrier.arrive $0xFFFF  }
0x23: {  	_ =	sfence.sel @p0 $0x180000  }
0x24: {  	[bflag:$0x0] =	sbarrier.arrive @p0 $0xFFFF  }
0x25: {  	_ =	strace @p0 $0x90000047  }
0x26: {  	s1 =	simm.s32 @!p0 $0x1C04;
	[bflag:$0x2] =	sbarrier.arrive @p0 $0xFFFF  }
0x27: {  	[hbm:s3], [sflag:s1] =	dma.local @!p0 [spmem:s2], $0x50  }
0x28: {  	s1 =	simm.s32 @!p0 $0x4  }
0x29: {  	_ =	swait.ge @!p0 [sflag:s1], $0x50  }
0x2a: {  	[sflag:s1] =	ssyncset.done @!p0 $0x0  }
0x2b: {  	[sflag:s1] =	ssyncadd.s32 @!p0 $0xFFFFFFB0  }
0x2c: {  	_ =	sfence.sel @!p0 $0x180000  }
0x2d: {  	[bflag:$0x0] =	sbarrier.arrive @!p0 $0xFFFF  }
0x2e: {  	_ =	strace @!p0 $0x90000047  }
0x2f: {  	s0 =	sadd.s32 @!p0 $0x100000, s0;
	[bflag:$0x2] =	sbarrier.arrive @!p0 $0xFFFF  }
0x30: {  	[sflag:s0] =	ssyncadd.tile.s32 @!p0 $0x1;
	_ =	shalt  }
.Lfunc_end2:
_tile_overlayer_lowered:
.L_overlay_start_2:
0x31: {  	(tag) =	ssettag $0x2  }
0x32: {  	s0 =	rddreg [dreg:$0x0];
	s2 =	stileid.u32  }
0x33: {  	s1 =	rddreg [dreg:$0x1];
	p0 =	sne.s32 s2, $0x0  }
0x34: {  	s3 =	rddreg [dreg:$0x2];
	[bflag:$0x3] =	sbarrier.arrive $0xFFFF;
	s2 =	simm.s32 @!p0 $0x1C04  }
0x35: {  	[timem:s3], [sflag:s2] =	dma.local @!p0 [hbm:s0], s1  }
0x36: {  	s0 =	simm.s32 @!p0 $0x4  }
0x37: {  	_ =	swait.ge @!p0 [sflag:s0], s1  }
0x38: {  	s1 =	ssub.s32 @!p0 $0x0, s1;
	[sflag:s0] =	ssyncset.done @!p0 $0x0  }
0x39: {  	[sflag:s0] =	ssyncadd.s32 @!p0 s1  }
0x3a: {  	[bflag:$0x3] =	sbarrier.arrive $0xFFFF  }
0x3b: {  	_ =	shalt  }

</sc_bundles>
